<compile_context>
chip_gen: v7x
topology: tpu7x:2x2x1
jax: 0.10.2.dev20260603
libtpu: 0.0.44.dev20260713+nightly
codegen_flags: <defaults>
</compile_context>

<pallas_src>
import functools

import jax
import jax.numpy as jnp
from jax import lax
from jax.experimental import pallas as pl
from jax.experimental.pallas import tpu as pltpu
from jax.experimental.pallas import tpu_sc as plsc

_CODEBOOK = 8192
_D = 32
_BETA = 0.2
_ROWS_PER_BLOCK = 512


def _argmin_body(x_ref, emb_ref, idx_ref, loss_ref, esq_ref):
    step = pl.program_id(0)

    @pl.when(step == 0)
    def _():
        emb = emb_ref[...]
        esq_ref[0, :] = jnp.sum(emb * emb, axis=1)
        loss_ref[...] = jnp.zeros((1, 1), jnp.float32)

    x = x_ref[...]
    xsq = jnp.sum(x * x, axis=1, keepdims=True)
    neg2mm = lax.dot_general(x * -2.0, emb_ref[...],
                             (((1,), (1,)), ((), ())),
                             preferred_element_type=jnp.float32)
    d = (xsq + esq_ref[...]) + neg2mm
    mind = jnp.min(d, axis=1, keepdims=True)
    idx_ref[...] = jnp.argmin(d, axis=1, keepdims=True).astype(jnp.int32)

    loss_ref[...] += jnp.sum(mind)

    @pl.when(step == pl.num_programs(0) - 1)
    def _():
        n_elems = pl.num_programs(0) * _ROWS_PER_BLOCK * _D
        loss_ref[...] = loss_ref[...] * ((1.0 + _BETA) / n_elems)


def _indexes_and_loss(x_flat, embedding):
    n = x_flat.shape[0]
    grid = n // _ROWS_PER_BLOCK
    idx3, loss = pl.pallas_call(
        _argmin_body,
        grid=(grid,),
        in_specs=[
            pl.BlockSpec((_ROWS_PER_BLOCK, _D), lambda i: (i, 0)),
            pl.BlockSpec((_CODEBOOK, _D), lambda i: (0, 0)),
        ],
        out_specs=[
            pl.BlockSpec((_ROWS_PER_BLOCK, 1), lambda i: (i, 0)),
            pl.BlockSpec((1, 1), lambda i: (0, 0)),
        ],
        out_shape=[
            jax.ShapeDtypeStruct((n, 1), jnp.int32),
            jax.ShapeDtypeStruct((1, 1), jnp.float32),
        ],
        scratch_shapes=[pltpu.VMEM((1, _CODEBOOK), jnp.float32)],
    )(x_flat, embedding)
    return idx3.reshape(n), loss.reshape(())




def _gather_rows(embedding, idx_flat):
    info = plsc.get_sparse_core_info()
    nc, ns = info.num_cores, info.num_subcores
    nw = nc * ns
    b = idx_flat.shape[0]
    b_per_w = b // nw
    chunk = 128
    k = b_per_w // chunk
    idx2 = idx_flat.reshape(b // chunk, chunk)
    mesh = plsc.VectorSubcoreMesh(core_axis_name="c", subcore_axis_name="s")

    @functools.partial(
        pl.kernel, mesh=mesh,
        out_type=jax.ShapeDtypeStruct((b, _D), jnp.float32),
        compiler_params=pltpu.CompilerParams(use_tc_tiling_on_sc=False),
        scratch_types=[
            pltpu.VMEM((k, chunk), jnp.int32),
            pltpu.VMEM((k, chunk, _D), jnp.float32),
            pltpu.SemaphoreType.DMA,
            pltpu.SemaphoreType.DMA,
        ],
    )
    def gk(table_hbm, idx_hbm, out_hbm, idx_v, rows_v, sem, sem_out):
        wid = lax.axis_index("s") * nc + lax.axis_index("c")
        pltpu.sync_copy(idx_hbm.at[pl.ds(wid * k, k)], idx_v)
        gathers = [
            pltpu.async_copy(table_hbm.at[idx_v.at[j]], rows_v.at[j], sem)
            for j in range(k)
        ]
        writes = []
        for j in range(k):
            gathers[j].wait()
            writes.append(pltpu.async_copy(
                rows_v.at[j],
                out_hbm.at[pl.ds((wid * k + j) * chunk, chunk)], sem_out))
        for w in writes:
            w.wait()

    return gk(embedding, idx2)


def kernel(x, embedding):
    bsz, seq, d = x.shape
    x_flat = x.reshape(bsz * seq, d)
    idx_flat, loss = _indexes_and_loss(x_flat, embedding)
    values = _gather_rows(embedding, idx_flat)
    return values.reshape(bsz, seq, d), idx_flat.reshape(bsz, seq), loss

# --- scband reference (transcript-rebuilt; emitter-appended) ---
"""Pipeline reference for scband-vq-46600395162277 (READ-ONLY COPY).

The authoritative reference and input builder live on the scoring server;
editing this copy changes nothing except your own understanding.
"""

import jax, jax.numpy as jnp
import numpy as np

CODEBOOK_SIZE = 8192
CODEWORD_SIZE = 32
BETA = 0.2


def setup_inputs(seed: int = 0) -> dict:
    key = jax.random.key(seed)
    k1, k2 = jax.random.split(key)
    x = jax.random.normal(k1, (8, 1024, CODEWORD_SIZE), dtype=jnp.float32)
    # nn.Parameter initialized uniform(-1/n**2, 1/n**2) with n=1 -> uniform(-1, 1)
    embedding = jax.random.uniform(k2, (CODEBOOK_SIZE, CODEWORD_SIZE), minval=-1.0, maxval=1.0, dtype=jnp.float32)
    return {"x": x, "embedding": embedding}


def reference(x, embedding):
    # squared L2 distance: ||x||^2 + ||e||^2 - 2 x e^T
    dist = (jnp.sum(x ** 2, axis=2, keepdims=True)
            + jnp.sum(embedding ** 2, axis=1)
            - 2.0 * jnp.matmul(x, embedding.T))
    indexes = jnp.argmin(dist, axis=2)
    one_hot = jax.nn.one_hot(indexes, CODEBOOK_SIZE, dtype=jnp.float32)
    values = jnp.matmul(one_hot, embedding)
    loss1 = jnp.mean((jax.lax.stop_gradient(x) - values) ** 2)
    loss2 = jnp.mean((x - jax.lax.stop_gradient(values)) ** 2)
    values_st = x + jax.lax.stop_gradient(values - x)
    loss = loss1 + loss2 * BETA
    return values_st, indexes, loss

if __name__ == "__main__":
    import jax
    _d = setup_inputs()
    print(jax.jit(kernel)(*tuple(_d.values())))

</pallas_src>

<mosaic_0001>
#map = affine_map<(d0, d1) -> (0, 0)>
module attributes {stable_mosaic.version = 14 : i64} {
  func.func @gk(%arg0: i32, %arg1: i32, %arg2: memref<8192x32xf32, #tpu.memory_space<hbm>>, %arg3: memref<64x128xi32, #tpu.memory_space<hbm>>, %arg4: memref<8192x32xf32, #tpu.memory_space<hbm>>, %arg5: memref<2x128xi32, #tpu.memory_space<vmem>>, %arg6: memref<2x128x32xf32, #tpu.memory_space<vmem>>, %arg7: memref<!tpu.dma_semaphore, #tpu.memory_space<semaphore_mem>>, %arg8: memref<!tpu.dma_semaphore, #tpu.memory_space<semaphore_mem>>) attributes {dimension_semantics = [#tpu.dimension_semantics<core_parallel>, #tpu.dimension_semantics<subcore_parallel>], iteration_bounds = array<i64: 2, 16>, scalar_prefetch = 0 : i64, scratch_operands = 4 : i64, tpu.core_type = #tpu.core_type<sc_vector_subcore>, window_params = [{transform_indices = #map}, {transform_indices = #map}, {transform_indices = #map}]} {
    %mul3A = arith.constant 2 : i32
    %mul3A_0 = arith.muli %arg1, %mul3A : i32
    %add3A = arith.addi %mul3A_0, %arg0 : i32
    %mul3A_1 = arith.constant 2 : i32
    %mul3A_2 = arith.muli %add3A, %mul3A_1 : i32
    "tpu.region"() ({
      %run_scoped3A = tpu.sem_alloc : memref<!tpu.dma_semaphore, #tpu.memory_space<semaphore_mem>>
      %dma_start3A_113 = arith.constant 0 : i32
      %dma_start3A_114 = tpu.memref_slice %arg3[%mul3A_2, %dma_start3A_113] : memref<64x128xi32, #tpu.memory_space<hbm>> -> memref<2x128xi32, #tpu.memory_space<hbm>>
      %dma_start3A_115 = arith.constant 0 : i32
      %dma_start3A_116 = tpu.memref_slice %arg3[%mul3A_2, %dma_start3A_115] : memref<64x128xi32, #tpu.memory_space<hbm>> -> memref<2x128xi32, #tpu.memory_space<hbm>>
      tpu.enqueue_dma source(%dma_start3A_116 : memref<2x128xi32, #tpu.memory_space<hbm>>) target(%arg5 : memref<2x128xi32, #tpu.memory_space<vmem>>) target_semaphore(%run_scoped3A : memref<!tpu.dma_semaphore, #tpu.memory_space<semaphore_mem>>)
      %dma_wait3A_117 = arith.constant 0 : i32
      %dma_wait3A_118 = tpu.memref_slice %arg3[%mul3A_2, %dma_wait3A_117] : memref<64x128xi32, #tpu.memory_space<hbm>> -> memref<2x128xi32, #tpu.memory_space<hbm>>
      %dma_wait3A_119 = arith.constant 0 : i32
      %dma_wait3A_120 = tpu.memref_slice %arg3[%mul3A_2, %dma_wait3A_119] : memref<64x128xi32, #tpu.memory_space<hbm>> -> memref<2x128xi32, #tpu.memory_space<hbm>>
      tpu.wait_dma2 semaphore(%run_scoped3A : memref<!tpu.dma_semaphore, #tpu.memory_space<semaphore_mem>>) src(%dma_wait3A_120 : memref<2x128xi32, #tpu.memory_space<hbm>>) dst(%arg5 : memref<2x128xi32, #tpu.memory_space<vmem>>)
      tpu.yield
    }) : () -> ()
    %dma_start3A = arith.constant 0 : i32
    %dma_start3A_3 = arith.constant 0 : i32
    %dma_start3A_4 = arith.constant 0 : i32
    %dma_start3A_5 = arith.constant 0 : i32
    %dma_start3A_6 = tpu.memref_slice %arg6[%dma_start3A_3, %dma_start3A_4, %dma_start3A_5] : memref<2x128x32xf32, #tpu.memory_space<vmem>> -> memref<1x128x32xf32, #tpu.memory_space<vmem>>
    %dma_start3A_7 = tpu.memref_squeeze %dma_start3A_6 : memref<1x128x32xf32, #tpu.memory_space<vmem>> -> memref<128x32xf32, #tpu.memory_space<vmem>>
    %dma_start3A_8 = arith.constant 0 : i32
    %dma_start3A_9 = tpu.memref_slice %arg5[%dma_start3A, %dma_start3A_8] : memref<2x128xi32, #tpu.memory_space<vmem>> -> memref<1x128xi32, #tpu.memory_space<vmem>>
    %dma_start3A_10 = tpu.memref_squeeze %dma_start3A_9 : memref<1x128xi32, #tpu.memory_space<vmem>> -> memref<128xi32, #tpu.memory_space<vmem>>
    %dma_start3A_11 = arith.constant 0 : i32
    %dma_start3A_12 = arith.constant 0 : i32
    %dma_start3A_13 = tpu.memref_slice %arg2[%dma_start3A_11, %dma_start3A_12] : memref<8192x32xf32, #tpu.memory_space<hbm>> -> memref<8192x32xf32, #tpu.memory_space<hbm>>
    tpu.enqueue_indirect_dma source(%dma_start3A_13 : memref<8192x32xf32, #tpu.memory_space<hbm>>) target(%dma_start3A_7 : memref<128x32xf32, #tpu.memory_space<vmem>>) offsets(%dma_start3A_10 : memref<128xi32, #tpu.memory_space<vmem>>) semaphore(%arg7 : memref<!tpu.dma_semaphore, #tpu.memory_space<semaphore_mem>>)
    %dma_start3A_14 = arith.constant 1 : i32
    %dma_start3A_15 = arith.constant 1 : i32
    %dma_start3A_16 = arith.constant 0 : i32
    %dma_start3A_17 = arith.constant 0 : i32
    %dma_start3A_18 = tpu.memref_slice %arg6[%dma_start3A_15, %dma_start3A_16, %dma_start3A_17] : memref<2x128x32xf32, #tpu.memory_space<vmem>> -> memref<1x128x32xf32, #tpu.memory_space<vmem>>
    %dma_start3A_19 = tpu.memref_squeeze %dma_start3A_18 : memref<1x128x32xf32, #tpu.memory_space<vmem>> -> memref<128x32xf32, #tpu.memory_space<vmem>>
    %dma_start3A_20 = arith.constant 0 : i32
    %dma_start3A_21 = tpu.memref_slice %arg5[%dma_start3A_14, %dma_start3A_20] : memref<2x128xi32, #tpu.memory_space<vmem>> -> memref<1x128xi32, #tpu.memory_space<vmem>>
    %dma_start3A_22 = tpu.memref_squeeze %dma_start3A_21 : memref<1x128xi32, #tpu.memory_space<vmem>> -> memref<128xi32, #tpu.memory_space<vmem>>
    %dma_start3A_23 = arith.constant 0 : i32
    %dma_start3A_24 = arith.constant 0 : i32
    %dma_start3A_25 = tpu.memref_slice %arg2[%dma_start3A_23, %dma_start3A_24] : memref<8192x32xf32, #tpu.memory_space<hbm>> -> memref<8192x32xf32, #tpu.memory_space<hbm>>
    tpu.enqueue_indirect_dma source(%dma_start3A_25 : memref<8192x32xf32, #tpu.memory_space<hbm>>) target(%dma_start3A_19 : memref<128x32xf32, #tpu.memory_space<vmem>>) offsets(%dma_start3A_22 : memref<128xi32, #tpu.memory_space<vmem>>) semaphore(%arg7 : memref<!tpu.dma_semaphore, #tpu.memory_space<semaphore_mem>>)
    %dma_wait3A = arith.constant 0 : i32
    %dma_wait3A_26 = arith.constant 0 : i32
    %dma_wait3A_27 = arith.constant 0 : i32
    %dma_wait3A_28 = arith.constant 0 : i32
    %dma_wait3A_29 = tpu.memref_slice %arg6[%dma_wait3A_26, %dma_wait3A_27, %dma_wait3A_28] : memref<2x128x32xf32, #tpu.memory_space<vmem>> -> memref<1x128x32xf32, #tpu.memory_space<vmem>>
    %dma_wait3A_30 = tpu.memref_squeeze %dma_wait3A_29 : memref<1x128x32xf32, #tpu.memory_space<vmem>> -> memref<128x32xf32, #tpu.memory_space<vmem>>
    %dma_wait3A_31 = arith.constant 0 : i32
    %dma_wait3A_32 = tpu.memref_slice %arg5[%dma_wait3A, %dma_wait3A_31] : memref<2x128xi32, #tpu.memory_space<vmem>> -> memref<1x128xi32, #tpu.memory_space<vmem>>
    %dma_wait3A_33 = tpu.memref_squeeze %dma_wait3A_32 : memref<1x128xi32, #tpu.memory_space<vmem>> -> memref<128xi32, #tpu.memory_space<vmem>>
    %dma_wait3A_34 = arith.constant 0 : i32
    %dma_wait3A_35 = arith.constant 0 : i32
    %dma_wait3A_36 = tpu.memref_slice %arg2[%dma_wait3A_34, %dma_wait3A_35] : memref<8192x32xf32, #tpu.memory_space<hbm>> -> memref<8192x32xf32, #tpu.memory_space<hbm>>
    tpu.wait_indirect_dma semaphore(%arg7 : memref<!tpu.dma_semaphore, #tpu.memory_space<semaphore_mem>>) src(%dma_wait3A_36 : memref<8192x32xf32, #tpu.memory_space<hbm>>) dst(%dma_wait3A_30 : memref<128x32xf32, #tpu.memory_space<vmem>>)
    %mul3A_37 = arith.constant 2 : i32
    %mul3A_38 = arith.muli %add3A, %mul3A_37 : i32
    %add3A_39 = arith.constant 0 : i32
    %add3A_40 = arith.addi %mul3A_38, %add3A_39 : i32
    %mul3A_41 = arith.constant 128 : i32
    %mul3A_42 = arith.muli %add3A_40, %mul3A_41 : i32
    %dma_start3A_43 = arith.constant 0 : i32
    %dma_start3A_44 = arith.constant 0 : i32
    %dma_start3A_45 = arith.constant 0 : i32
    %dma_start3A_46 = tpu.memref_slice %arg6[%dma_start3A_43, %dma_start3A_44, %dma_start3A_45] : memref<2x128x32xf32, #tpu.memory_space<vmem>> -> memref<1x128x32xf32, #tpu.memory_space<vmem>>
    %dma_start3A_47 = tpu.memref_squeeze %dma_start3A_46 : memref<1x128x32xf32, #tpu.memory_space<vmem>> -> memref<128x32xf32, #tpu.memory_space<vmem>>
    %dma_start3A_48 = arith.constant 0 : i32
    %dma_start3A_49 = tpu.memref_slice %arg4[%mul3A_42, %dma_start3A_48] : memref<8192x32xf32, #tpu.memory_space<hbm>> -> memref<128x32xf32, #tpu.memory_space<hbm>>
    %dma_start3A_50 = arith.constant 0 : i32
    %dma_start3A_51 = tpu.memref_slice %arg4[%mul3A_42, %dma_start3A_50] : memref<8192x32xf32, #tpu.memory_space<hbm>> -> memref<128x32xf32, #tpu.memory_space<hbm>>
    %dma_start3A_52 = arith.constant 0 : i32
    %dma_start3A_53 = arith.constant 0 : i32
    %dma_start3A_54 = tpu.memref_slice %arg6[%dma_start3A_43, %dma_start3A_52, %dma_start3A_53] : memref<2x128x32xf32, #tpu.memory_space<vmem>> -> memref<1x128x32xf32, #tpu.memory_space<vmem>>
    %dma_start3A_55 = tpu.memref_squeeze %dma_start3A_54 : memref<1x128x32xf32, #tpu.memory_space<vmem>> -> memref<128x32xf32, #tpu.memory_space<vmem>>
    tpu.enqueue_dma source(%dma_start3A_55 : memref<128x32xf32, #tpu.memory_space<vmem>>) target(%dma_start3A_51 : memref<128x32xf32, #tpu.memory_space<hbm>>) target_semaphore(%arg8 : memref<!tpu.dma_semaphore, #tpu.memory_space<semaphore_mem>>)
    %dma_wait3A_56 = arith.constant 1 : i32
    %dma_wait3A_57 = arith.constant 1 : i32
    %dma_wait3A_58 = arith.constant 0 : i32
    %dma_wait3A_59 = arith.constant 0 : i32
    %dma_wait3A_60 = tpu.memref_slice %arg6[%dma_wait3A_57, %dma_wait3A_58, %dma_wait3A_59] : memref<2x128x32xf32, #tpu.memory_space<vmem>> -> memref<1x128x32xf32, #tpu.memory_space<vmem>>
    %dma_wait3A_61 = tpu.memref_squeeze %dma_wait3A_60 : memref<1x128x32xf32, #tpu.memory_space<vmem>> -> memref<128x32xf32, #tpu.memory_space<vmem>>
    %dma_wait3A_62 = arith.constant 0 : i32
    %dma_wait3A_63 = tpu.memref_slice %arg5[%dma_wait3A_56, %dma_wait3A_62] : memref<2x128xi32, #tpu.memory_space<vmem>> -> memref<1x128xi32, #tpu.memory_space<vmem>>
    %dma_wait3A_64 = tpu.memref_squeeze %dma_wait3A_63 : memref<1x128xi32, #tpu.memory_space<vmem>> -> memref<128xi32, #tpu.memory_space<vmem>>
    %dma_wait3A_65 = arith.constant 0 : i32
    %dma_wait3A_66 = arith.constant 0 : i32
    %dma_wait3A_67 = tpu.memref_slice %arg2[%dma_wait3A_65, %dma_wait3A_66] : memref<8192x32xf32, #tpu.memory_space<hbm>> -> memref<8192x32xf32, #tpu.memory_space<hbm>>
    tpu.wait_indirect_dma semaphore(%arg7 : memref<!tpu.dma_semaphore, #tpu.memory_space<semaphore_mem>>) src(%dma_wait3A_67 : memref<8192x32xf32, #tpu.memory_space<hbm>>) dst(%dma_wait3A_61 : memref<128x32xf32, #tpu.memory_space<vmem>>)
    %mul3A_68 = arith.constant 2 : i32
    %mul3A_69 = arith.muli %add3A, %mul3A_68 : i32
    %add3A_70 = arith.constant 1 : i32
    %add3A_71 = arith.addi %mul3A_69, %add3A_70 : i32
    %mul3A_72 = arith.constant 128 : i32
    %mul3A_73 = arith.muli %add3A_71, %mul3A_72 : i32
    %dma_start3A_74 = arith.constant 1 : i32
    %dma_start3A_75 = arith.constant 0 : i32
    %dma_start3A_76 = arith.constant 0 : i32
    %dma_start3A_77 = tpu.memref_slice %arg6[%dma_start3A_74, %dma_start3A_75, %dma_start3A_76] : memref<2x128x32xf32, #tpu.memory_space<vmem>> -> memref<1x128x32xf32, #tpu.memory_space<vmem>>
    %dma_start3A_78 = tpu.memref_squeeze %dma_start3A_77 : memref<1x128x32xf32, #tpu.memory_space<vmem>> -> memref<128x32xf32, #tpu.memory_space<vmem>>
    %dma_start3A_79 = arith.constant 0 : i32
    %dma_start3A_80 = tpu.memref_slice %arg4[%mul3A_73, %dma_start3A_79] : memref<8192x32xf32, #tpu.memory_space<hbm>> -> memref<128x32xf32, #tpu.memory_space<hbm>>
    %dma_start3A_81 = arith.constant 0 : i32
    %dma_start3A_82 = tpu.memref_slice %arg4[%mul3A_73, %dma_start3A_81] : memref<8192x32xf32, #tpu.memory_space<hbm>> -> memref<128x32xf32, #tpu.memory_space<hbm>>
    %dma_start3A_83 = arith.constant 0 : i32
    %dma_start3A_84 = arith.constant 0 : i32
    %dma_start3A_85 = tpu.memref_slice %arg6[%dma_start3A_74, %dma_start3A_83, %dma_start3A_84] : memref<2x128x32xf32, #tpu.memory_space<vmem>> -> memref<1x128x32xf32, #tpu.memory_space<vmem>>
    %dma_start3A_86 = tpu.memref_squeeze %dma_start3A_85 : memref<1x128x32xf32, #tpu.memory_space<vmem>> -> memref<128x32xf32, #tpu.memory_space<vmem>>
    tpu.enqueue_dma source(%dma_start3A_86 : memref<128x32xf32, #tpu.memory_space<vmem>>) target(%dma_start3A_82 : memref<128x32xf32, #tpu.memory_space<hbm>>) target_semaphore(%arg8 : memref<!tpu.dma_semaphore, #tpu.memory_space<semaphore_mem>>)
    %dma_wait3A_87 = arith.constant 0 : i32
    %dma_wait3A_88 = arith.constant 0 : i32
    %dma_wait3A_89 = arith.constant 0 : i32
    %dma_wait3A_90 = tpu.memref_slice %arg6[%dma_wait3A_87, %dma_wait3A_88, %dma_wait3A_89] : memref<2x128x32xf32, #tpu.memory_space<vmem>> -> memref<1x128x32xf32, #tpu.memory_space<vmem>>
    %dma_wait3A_91 = tpu.memref_squeeze %dma_wait3A_90 : memref<1x128x32xf32, #tpu.memory_space<vmem>> -> memref<128x32xf32, #tpu.memory_space<vmem>>
    %dma_wait3A_92 = arith.constant 0 : i32
    %dma_wait3A_93 = tpu.memref_slice %arg4[%mul3A_42, %dma_wait3A_92] : memref<8192x32xf32, #tpu.memory_space<hbm>> -> memref<128x32xf32, #tpu.memory_space<hbm>>
    %dma_wait3A_94 = arith.constant 0 : i32
    %dma_wait3A_95 = tpu.memref_slice %arg4[%mul3A_42, %dma_wait3A_94] : memref<8192x32xf32, #tpu.memory_space<hbm>> -> memref<128x32xf32, #tpu.memory_space<hbm>>
    %dma_wait3A_96 = arith.constant 0 : i32
    %dma_wait3A_97 = arith.constant 0 : i32
    %dma_wait3A_98 = tpu.memref_slice %arg6[%dma_wait3A_87, %dma_wait3A_96, %dma_wait3A_97] : memref<2x128x32xf32, #tpu.memory_space<vmem>> -> memref<1x128x32xf32, #tpu.memory_space<vmem>>
    %dma_wait3A_99 = tpu.memref_squeeze %dma_wait3A_98 : memref<1x128x32xf32, #tpu.memory_space<vmem>> -> memref<128x32xf32, #tpu.memory_space<vmem>>
    tpu.wait_dma2 semaphore(%arg8 : memref<!tpu.dma_semaphore, #tpu.memory_space<semaphore_mem>>) src(%dma_wait3A_99 : memref<128x32xf32, #tpu.memory_space<vmem>>) dst(%dma_wait3A_95 : memref<128x32xf32, #tpu.memory_space<hbm>>)
    %dma_wait3A_100 = arith.constant 1 : i32
    %dma_wait3A_101 = arith.constant 0 : i32
    %dma_wait3A_102 = arith.constant 0 : i32
    %dma_wait3A_103 = tpu.memref_slice %arg6[%dma_wait3A_100, %dma_wait3A_101, %dma_wait3A_102] : memref<2x128x32xf32, #tpu.memory_space<vmem>> -> memref<1x128x32xf32, #tpu.memory_space<vmem>>
    %dma_wait3A_104 = tpu.memref_squeeze %dma_wait3A_103 : memref<1x128x32xf32, #tpu.memory_space<vmem>> -> memref<128x32xf32, #tpu.memory_space<vmem>>
    %dma_wait3A_105 = arith.constant 0 : i32
    %dma_wait3A_106 = tpu.memref_slice %arg4[%mul3A_73, %dma_wait3A_105] : memref<8192x32xf32, #tpu.memory_space<hbm>> -> memref<128x32xf32, #tpu.memory_space<hbm>>
    %dma_wait3A_107 = arith.constant 0 : i32
    %dma_wait3A_108 = tpu.memref_slice %arg4[%mul3A_73, %dma_wait3A_107] : memref<8192x32xf32, #tpu.memory_space<hbm>> -> memref<128x32xf32, #tpu.memory_space<hbm>>
    %dma_wait3A_109 = arith.constant 0 : i32
    %dma_wait3A_110 = arith.constant 0 : i32
    %dma_wait3A_111 = tpu.memref_slice %arg6[%dma_wait3A_100, %dma_wait3A_109, %dma_wait3A_110] : memref<2x128x32xf32, #tpu.memory_space<vmem>> -> memref<1x128x32xf32, #tpu.memory_space<vmem>>
    %dma_wait3A_112 = tpu.memref_squeeze %dma_wait3A_111 : memref<1x128x32xf32, #tpu.memory_space<vmem>> -> memref<128x32xf32, #tpu.memory_space<vmem>>
    tpu.wait_dma2 semaphore(%arg8 : memref<!tpu.dma_semaphore, #tpu.memory_space<semaphore_mem>>) src(%dma_wait3A_112 : memref<128x32xf32, #tpu.memory_space<vmem>>) dst(%dma_wait3A_108 : memref<128x32xf32, #tpu.memory_space<hbm>>)
    return
  }
}

module attributes {stable_mosaic.version = 14 : i64} {
  func.func @_argmin_body(%arg0: i32, %arg1: memref<512x32xf32, #tpu.memory_space<vmem>>, %arg2: memref<8192x32xf32, #tpu.memory_space<vmem>>, %arg3: memref<512x1xi32, #tpu.memory_space<vmem>>, %arg4: memref<1x1xf32, #tpu.memory_space<vmem>>, %arg5: memref<1x8192xf32, #tpu.memory_space<vmem>>) attributes {dimension_semantics = [#tpu.dimension_semantics<arbitrary>], iteration_bounds = array<i64: 16>, scalar_prefetch = 0 : i64, scratch_operands = 1 : i64, tpu.core_type = #tpu.core_type<tc>, window_params = [{transform_indices = @transform_0, window_bounds = array<i64: 512, 32>}, {pipeline_mode = #tpu.pipeline_mode<synchronous>, transform_indices = @transform_1, window_bounds = array<i64: 8192, 32>}, {transform_indices = @transform_2, window_bounds = array<i64: 512, 1>}, {pipeline_mode = #tpu.pipeline_mode<synchronous>, transform_indices = @transform_3, window_bounds = array<i64: 1, 1>}]} {
    %eq3A = arith.constant 0 : i32
    %eq3A_0 = arith.cmpi eq, %arg0, %eq3A : i32
    %convert_element_type3A = arith.extui %eq3A_0 : i1 to i32
    %cond3A = arith.constant 0 : i32
    %cond3A_1 = arith.cmpi ne, %convert_element_type3A, %cond3A : i32
    scf.if %cond3A_1 {
      %get3A_41 = arith.constant 0 : index
      %get3A_42 = arith.constant 0 : index
      %get3A_43 = vector.load %arg2[%get3A_41, %get3A_42] : memref<8192x32xf32, #tpu.memory_space<vmem>>, vector<8192x32xf32>
      %mul3A_44 = arith.mulf %get3A_43, %get3A_43 : vector<8192x32xf32>
      %reduce_sum3A_45 = arith.constant dense<0.000000e+00> : vector<8192xf32>
      %reduce_sum3A_46 = vector.multi_reduction <add>, %mul3A_44, %reduce_sum3A_45 [1] : vector<8192x32xf32> to vector<8192xf32>
      %swap3A_47 = arith.constant 0 : index
      %swap3A_48 = arith.constant 0 : index
      %swap3A_49 = vector.load %arg5[%swap3A_47, %swap3A_48] : memref<1x8192xf32, #tpu.memory_space<vmem>>, vector<1x8192xf32>
      %swap3A_50 = vector.shape_cast %swap3A_49 : vector<1x8192xf32> to vector<8192xf32>
      %swap3A_51 = vector.shape_cast %reduce_sum3A_46 : vector<8192xf32> to vector<1x8192xf32>
      tpu.vector_store %arg5[%swap3A_47, %swap3A_48], %swap3A_51 {strides = array<i32>} : memref<1x8192xf32, #tpu.memory_space<vmem>>, vector<1x8192xf32>,
      %broadcast_in_dim3A_52 = arith.constant 0.000000e+00 : f32
      %broadcast_in_dim3A_53 = vector.broadcast %broadcast_in_dim3A_52 : f32 to vector<1x1xf32>
      %swap3A_54 = arith.constant 0 : index
      %swap3A_55 = arith.constant 0 : index
      %swap3A_56 = vector.load %arg4[%swap3A_54, %swap3A_55] : memref<1x1xf32, #tpu.memory_space<vmem>>, vector<1x1xf32>
      tpu.vector_store %arg4[%swap3A_54, %swap3A_55], %broadcast_in_dim3A_53 {strides = array<i32>} : memref<1x1xf32, #tpu.memory_space<vmem>>, vector<1x1xf32>,
    } else {
    }
    %get3A = arith.constant 0 : index
    %get3A_2 = arith.constant 0 : index
    %get3A_3 = vector.load %arg1[%get3A, %get3A_2] : memref<512x32xf32, #tpu.memory_space<vmem>>, vector<512x32xf32>
    %mul3A = arith.mulf %get3A_3, %get3A_3 : vector<512x32xf32>
    %reduce_sum3A = arith.constant dense<0.000000e+00> : vector<512xf32>
    %reduce_sum3A_4 = vector.multi_reduction <add>, %mul3A, %reduce_sum3A [1] : vector<512x32xf32> to vector<512xf32>
    %broadcast_in_dim3A = vector.shape_cast %reduce_sum3A_4 : vector<512xf32> to vector<512x1xf32>
    %mul3A_5 = arith.constant -2.000000e+00 : f32
    %mul3A_6 = vector.broadcast %mul3A_5 : f32 to vector<512x32xf32>
    %mul3A_7 = arith.mulf %get3A_3, %mul3A_6 : vector<512x32xf32>
    %get3A_8 = arith.constant 0 : index
    %get3A_9 = arith.constant 0 : index
    %get3A_10 = vector.load %arg2[%get3A_8, %get3A_9] : memref<8192x32xf32, #tpu.memory_space<vmem>>, vector<8192x32xf32>
    %dot_general3A = arith.constant dense<0.000000e+00> : vector<512x8192xf32>
    %dot_general3A_11 = tpu.matmul %mul3A_7, %get3A_10, %dot_general3A {dimension_numbers = #tpu.dot_dimension_numbers<[1], [1], [0], [0], [0, 0, 1, 0], [], []>, transpose_lhs_hint = false} : vector<512x32xf32>, vector<8192x32xf32>, vector<512x8192xf32> -> vector<512x8192xf32>
    %get3A_12 = arith.constant 0 : index
    %get3A_13 = arith.constant 0 : index
    %get3A_14 = vector.load %arg5[%get3A_12, %get3A_13] : memref<1x8192xf32, #tpu.memory_space<vmem>>, vector<1x8192xf32>
    %add3A = vector.broadcast %broadcast_in_dim3A : vector<512x1xf32> to vector<512x8192xf32>
    %add3A_15 = vector.broadcast %get3A_14 : vector<1x8192xf32> to vector<512x8192xf32>
    %add3A_16 = arith.addf %add3A, %add3A_15 : vector<512x8192xf32>
    %add3A_17 = arith.addf %add3A_16, %dot_general3A_11 : vector<512x8192xf32>
    %reduce_min3A = arith.constant dense<0x7F800000> : vector<512xf32>
    %reduce_min3A_18 = vector.multi_reduction <minimumf>, %add3A_17, %reduce_min3A [1] : vector<512x8192xf32> to vector<512xf32>
    %broadcast_in_dim3A_19 = vector.shape_cast %reduce_min3A_18 : vector<512xf32> to vector<512x1xf32>
    %argmin3A = tpu.reduce_index %add3A_17 {axis = 1 : i32, kind = #tpu.reduction_kind<arg_min>} : vector<512x8192xf32> -> vector<512xi32>
    %broadcast_in_dim3A_20 = vector.shape_cast %argmin3A : vector<512xi32> to vector<512x1xi32>
    %swap3A = arith.constant 0 : index
    %swap3A_21 = arith.constant 0 : index
    %swap3A_22 = vector.load %arg3[%swap3A, %swap3A_21] : memref<512x1xi32, #tpu.memory_space<vmem>>, vector<512x1xi32>
    tpu.vector_store %arg3[%swap3A, %swap3A_21], %broadcast_in_dim3A_20 {strides = array<i32>} : memref<512x1xi32, #tpu.memory_space<vmem>>, vector<512x1xi32>,
    %get3A_23 = arith.constant 0 : index
    %get3A_24 = arith.constant 0 : index
    %get3A_25 = vector.load %arg4[%get3A_23, %get3A_24] : memref<1x1xf32, #tpu.memory_space<vmem>>, vector<1x1xf32>
    %reduce_sum3A_26 = vector.shape_cast %broadcast_in_dim3A_19 : vector<512x1xf32> to vector<1x512x1xf32>
    %reduce_sum3A_27 = arith.constant dense<0.000000e+00> : vector<1xf32>
    %reduce_sum3A_28 = vector.multi_reduction <add>, %reduce_sum3A_26, %reduce_sum3A_27 [1, 2] : vector<1x512x1xf32> to vector<1xf32>
    %reduce_sum3A_29 = vector.shape_cast %reduce_sum3A_28 : vector<1xf32> to vector<1x1x1xf32>
    %reduce_sum3A_30 = vector.extract %reduce_sum3A_29[0, 0, 0] : f32 from vector<1x1x1xf32>
    %add3A_31 = vector.broadcast %reduce_sum3A_30 : f32 to vector<1x1xf32>
    %add3A_32 = arith.addf %get3A_25, %add3A_31 : vector<1x1xf32>
    %swap3A_33 = arith.constant 0 : index
    %swap3A_34 = arith.constant 0 : index
    %swap3A_35 = vector.load %arg4[%swap3A_33, %swap3A_34] : memref<1x1xf32, #tpu.memory_space<vmem>>, vector<1x1xf32>
    tpu.vector_store %arg4[%swap3A_33, %swap3A_34], %add3A_32 {strides = array<i32>} : memref<1x1xf32, #tpu.memory_space<vmem>>, vector<1x1xf32>,
    %eq3A_36 = arith.constant 15 : i32
    %eq3A_37 = arith.cmpi eq, %arg0, %eq3A_36 : i32
    %convert_element_type3A_38 = arith.extui %eq3A_37 : i1 to i32
    %cond3A_39 = arith.constant 0 : i32
    %cond3A_40 = arith.cmpi ne, %convert_element_type3A_38, %cond3A_39 : i32
    scf.if %cond3A_40 {
      %get3A_41 = arith.constant 0 : index
      %get3A_42 = arith.constant 0 : index
      %get3A_43 = vector.load %arg4[%get3A_41, %get3A_42] : memref<1x1xf32, #tpu.memory_space<vmem>>, vector<1x1xf32>
      %mul3A_44 = arith.constant 4.5776369E-6 : f32
      %mul3A_45 = vector.broadcast %mul3A_44 : f32 to vector<1x1xf32>
      %mul3A_46 = arith.mulf %get3A_43, %mul3A_45 : vector<1x1xf32>
      %swap3A_47 = arith.constant 0 : index
      %swap3A_48 = arith.constant 0 : index
      %swap3A_49 = vector.load %arg4[%swap3A_47, %swap3A_48] : memref<1x1xf32, #tpu.memory_space<vmem>>, vector<1x1xf32>
      tpu.vector_store %arg4[%swap3A_47, %swap3A_48], %mul3A_46 {strides = array<i32>} : memref<1x1xf32, #tpu.memory_space<vmem>>, vector<1x1xf32>,
    } else {
    }
    return
  }
  func.func @transform_0(%arg0: i32) -> (i32, i32) {
    %c0_i32 = arith.constant 0 : i32
    %c0_i32_0 = arith.constant 0 : i32
    return %arg0, %c0_i32 : i32, i32
  }
  func.func @transform_1(%arg0: i32) -> (i32, i32) {
    %c0_i32 = arith.constant 0 : i32
    %c0_i32_0 = arith.constant 0 : i32
    %c0_i32_1 = arith.constant 0 : i32
    return %c0_i32, %c0_i32_0 : i32, i32
  }
  func.func @transform_2(%arg0: i32) -> (i32, i32) {
    %c0_i32 = arith.constant 0 : i32
    %c0_i32_0 = arith.constant 0 : i32
    return %arg0, %c0_i32 : i32, i32
  }
  func.func @transform_3(%arg0: i32) -> (i32, i32) {
    %c0_i32 = arith.constant 0 : i32
    %c0_i32_0 = arith.constant 0 : i32
    %c0_i32_1 = arith.constant 0 : i32
    return %c0_i32, %c0_i32_0 : i32, i32
  }
}

</mosaic_0001>

<sc_bundles>
// kernel: kernel.4.cloned.1.call-start
scs
__scs_entry_jumppad:
0x0: {  	(pc) =	sbr.rel $0x88, $3  }
0x1: {  	(tag) =	ssettag $0x0;
	lr =	simm.s32 $0x1  }
0x2: {  	[smem:$0x3F9F] =	sst lr;
	_ =	strace $0xD0000000  }
0x3: {  	_ = 	snop  }
0x4: {  	_ = 	snop  }
0x5: {  	_ = 	snop  }
0x6: {  	_ = 	snop  }
0x7: {  	_ = 	snop  }
__scs_overlays_trampoline_lowered:
0x8: {  	[smem:$0x3FAE] =	sst s0  }
0x9: {  	[smem:$0x3FAF] =	sst s1  }
0xa: {  	[smem:$0x3FB0] =	sst s2  }
0xb: {  	[smem:$0x3FB1] =	sst s3  }
0xc: {  	[smem:$0x3FB2] =	sst s4  }
0xd: {  	[smem:$0x3FB3] =	sst s5  }
0xe: {  	[smem:$0x3FB4] =	sst s6  }
0xf: {  	[smem:$0x3FB5] =	sst s7  }
0x10: {  	[smem:$0x3FB6] =	sst s8  }
0x11: {  	[smem:$0x3FB7] =	sst s9;
	s0 =	simm.s32 @!p0 $0x0  }
0x12: {  	s1 =	sld [smem:$0x3F9D];
	s0 =	simm.s32 @p0 $0x1  }
0x13: {  	[smem:$0x3FB8] =	sst s0;
	s0 =	simm.s32 @!p1 $0x0  }
0x14: {  	s2 =	sld [smem:$0x3F9C];
	s0 =	simm.s32 @p1 $0x1  }
0x15: {  	[smem:$0x3FB9] =	sst s0;
	s0 =	simm.s32 @!p2 $0x0  }
0x16: {  	s3 =	sld [smem:$0x3FDB];
	s0 =	simm.s32 @p2 $0x1  }
0x17: {  	s4 =	simm.s32 $0x1BF5;
	[smem:$0x3FBB] =	sst s0  }
0x18: {  	s0 =	sld [smem:$0x3F9E];
	_ =	swait.ge [sflag:s4], $0x0  }
0x19: {  	s7 =	sld [smem:$0x3F9F]  }
0x1a: {  	s8 =	sadd.s32 $0xFFFFE003, lr  }
0x1b: {  	s9 =	sadd.s32 $0xFFFFFEF7, lr;
	s5 =	simm.s32 $0xFFFFFFFF;
	p2 =	slt.u32 s8, $0xFFFFF086  }
0x1c: {  	p1 =	slt.u32 s9, $0xF7A;
	s5 =	simm.s32 @!p2 $0x0  }
0x1d: {  	s5 =	simm.s32 @p1 $0x1;
	p0 =	seq.s32 s7, s2  }
0x1e: {  	s7 =	smul.u32 @!p0 $0xF7A, s2;
	p2 =	seq.s32 @!p0 s5, $0x0  }
0x1f: {  	s9 =	smul.u32 $0xF7A, s1;
	s8 =	simm.s32 @!p0 $0x1BF5;
	p2 =	por !p2, p0  }
0x20: {  	[sflag:s8] =	ssyncset.s32 @!p0 $0xFFFFF086;
	s6 =	sadd.s32 @!p0 s3, s7;
	s7 =	simm.s32 @!p0 $0x108  }
0x21: {  	s3 =	sadd.s32 s3, s9;
	s6 =	sadd.s32 @!p0 $0x88, s6;
	s7 =	simm.s32 @p2 $0x1082  }
0x22: {  	[simem:s7], [sflag:s8] =	dma.local @!p0 [hbm:s6], $0xF7A  }
0x23: {  	s9 =	sor.u32 $0xD0000000, s2;
	s6 =	simm.s32 $0x108;
	_ =	swait.ge @!p0 [sflag:s8], $0x0  }
0x24: {  	s3 =	sadd.s32 $0x88, s3;
	s6 =	simm.s32 @!p1 $0x1082;
	[sflag:s4] =	ssyncset.s32 $0xFFFFF086  }
0x25: {  	[simem:s6], [sflag:s4] =	dma.local [hbm:s3], $0xF7A  }
0x26: {  	[smem:$0x3F9F] =	sst s1;
	(tag) =	ssettag s2;
	_ =	strace s9  }
0x27: {  	s1 =	sld [smem:$0x3FAF]  }
0x28: {  	s2 =	sld [smem:$0x3FB0]  }
0x29: {  	s4 =	sld [smem:$0x3FB2]  }
0x2a: {  	p0 =	seq.s32 s5, $0x0;
	s5 =	sld [smem:$0x3FB3]  }
0x2b: {  	s6 =	sld [smem:$0x3FB4]  }
0x2c: {  	s7 =	sld [smem:$0x3FB5]  }
0x2d: {  	s3 =	simm.s32 $0x108;
	s8 =	sld [smem:$0x3FB6]  }
0x2e: {  	s3 =	simm.s32 @!p0 $0x1082;
	s9 =	sld [smem:$0x3FB7]  }
0x2f: {  	lr =	sadd.s32 s0, s3;
	s0 =	sld [smem:$0x3FAE]  }
0x30: {  	s3 =	sld [smem:$0x3FB1]  }
0x31: {  	[smem:$0x3FBA] =	sst s10  }
0x32: {  	s10 =	sld [smem:$0x3FB8];
	_ =	sdelay $0x3  }
0x33: {  	p0 =	seq.s32 s10, $0x1;
	s10 =	sld [smem:$0x3FBA];
	_ =	sdelay $0x3  }
0x34: {  	[smem:$0x3FBA] =	sst s10  }
0x35: {  	s10 =	sld [smem:$0x3FB9];
	_ =	sdelay $0x3  }
0x36: {  	p1 =	seq.s32 s10, $0x1;
	s10 =	sld [smem:$0x3FBA];
	_ =	sdelay $0x3  }
0x37: {  	[smem:$0x3FBA] =	sst s10  }
0x38: {  	s10 =	sld [smem:$0x3FBB]  }
0x39: {  	_ = 	snop;
	(pc) =	sbr.ind lr, $3  }
0x3a: {  	_ = 	snop  }
0x3b: {  	_ = 	snop  }
0x3c: {  	p2 =	seq.s32 s10, $0x1;
	s10 =	sld [smem:$0x3FBA]  }
0x3d: {  	_ =	shalt  }
0x3e: {  	_ =	shalt  }
0x3f: {  	_ =	shalt  }
0x40: {  	_ =	shalt  }
0x41: {  	_ =	shalt  }
0x42: {  	_ =	shalt  }
0x43: {  	_ =	shalt  }
0x44: {  	_ =	shalt  }
0x45: {  	_ =	shalt  }
0x46: {  	_ =	shalt  }
0x47: {  	_ =	shalt  }
0x48: {  	_ =	shalt  }
0x49: {  	_ =	shalt  }
0x4a: {  	_ =	shalt  }
0x4b: {  	_ =	shalt  }
0x4c: {  	_ =	shalt  }
0x4d: {  	_ =	shalt  }
0x4e: {  	_ =	shalt  }
0x4f: {  	_ =	shalt  }
0x50: {  	_ =	shalt  }
0x51: {  	_ =	shalt  }
0x52: {  	_ =	shalt  }
0x53: {  	_ =	shalt  }
0x54: {  	_ =	shalt  }
0x55: {  	_ =	shalt  }
0x56: {  	_ =	shalt  }
0x57: {  	_ =	shalt  }
0x58: {  	_ =	shalt  }
0x59: {  	_ =	shalt  }
0x5a: {  	_ =	shalt  }
0x5b: {  	_ =	shalt  }
0x5c: {  	_ =	shalt  }
0x5d: {  	_ =	shalt  }
0x5e: {  	_ =	shalt  }
0x5f: {  	_ =	shalt  }
0x60: {  	_ =	shalt  }
0x61: {  	_ =	shalt  }
0x62: {  	_ =	shalt  }
0x63: {  	_ =	shalt  }
0x64: {  	_ =	shalt  }
0x65: {  	_ =	shalt  }
0x66: {  	_ =	shalt  }
0x67: {  	_ =	shalt  }
0x68: {  	_ =	shalt  }
0x69: {  	_ =	shalt  }
0x6a: {  	_ =	shalt  }
0x6b: {  	_ =	shalt  }
0x6c: {  	_ =	shalt  }
0x6d: {  	_ =	shalt  }
0x6e: {  	_ =	shalt  }
0x6f: {  	_ =	shalt  }
0x70: {  	_ =	shalt  }
0x71: {  	_ =	shalt  }
0x72: {  	_ =	shalt  }
0x73: {  	_ =	shalt  }
0x74: {  	_ =	shalt  }
0x75: {  	_ =	shalt  }
0x76: {  	_ =	shalt  }
0x77: {  	_ =	shalt  }
0x78: {  	_ =	shalt  }
0x79: {  	_ =	shalt  }
0x7a: {  	_ =	shalt  }
0x7b: {  	_ =	shalt  }
0x7c: {  	_ =	shalt  }
0x7d: {  	_ =	shalt  }
0x7e: {  	_ =	shalt  }
0x7f: {  	_ =	shalt  }
0x80: {  	_ =	shalt  }
0x81: {  	_ =	shalt  }
0x82: {  	_ =	shalt  }
0x83: {  	_ =	shalt  }
0x84: {  	_ =	shalt  }
0x85: {  	_ =	shalt  }
0x86: {  	_ =	shalt  }
0x87: {  	_ =	shalt  }
.Lfunc_end0:
.L_simem_size_0:
called_computation_lowered:
.L_overlay_start_0:
0x88: {  	s2 =	sld [smem:$0x3FD9]  }
0x89: {  	s3 =	sld [smem:$0x3FFE];
	_ =	sdelay $0x1  }
0x8a: {  	s1 =	srdreg.scid  }
0x8b: {  	s0 =	sand.u32 $0x1, s1  }
0x8c: {  	s14 =	sshll.u32 s0, $0xA;
	s2 =	sadd.s32 s3, s2  }
0x8d: {  	s2 =	sadd.s32 s2, s14  }
0x8e: {  	[smem:$0x3FC6] =	sst s2  }
0x8f: {  	_ = 	snop  }
0x90: {  	s2 =	sld [smem:$0x3FD0];
	_ =	sdelay $0x2  }
0x91: {  	s15 =	simm.s32 $0xA;
	s4 =	simm.s32 $0x10  }
0x92: {  	[smem:s4], [sflag:s15] =	dma.local [hbm:s2], $0x1  }
0x93: {  	_ =	swait.eq [sflag:s15], $0x1  }
0x94: {  	[sflag:s15] =	ssyncset.done $0x0  }
0x95: {  	[sflag:s15] =	ssyncadd.s32 $0xFFFFFFFF  }
0x96: {  	s16 =	sld [smem:$0x10];
	(tm) =	ssettm $0x1  }
0x97: {  	s17 =	sld [smem:$0x3FFB];
	_ =	sdelay $0x3  }
0x98: {  	_ =	strace s17  }
0x99: {  	s3 =	sld [smem:$0x3FFC];
	_ =	sdelay $0x3  }
0x9a: {  	_ =	strace s3  }
0x9b: {  	s3 =	sld [smem:$0x3FFD];
	_ =	sdelay $0x3  }
0x9c: {  	_ =	strace s3  }
0x9d: {  	_ =	strace $0x8FFFFFFF  }
0x9e: {  	s18 =	sld [smem:$0x3FDB];
	_ =	sdelay $0x1  }
0x9f: {  	s19 =	simm.s32 $_scs_section_size  }
0xa0: {  	s5 =	simm.s32 $_size__tile_overlayer_lowered;
	s6 =	simm.s32 $_tile_overlayer_lowered  }
0xa1: {  	s22 =	simm.s32 $0x1BFF;
	s21 =	sshll.u32 s6, $0x1;
	s3 =	sadd.s32 s19, s18  }
0xa2: {  	s7 =	simm.s32 $0x0;
	s20 =	sshll.u32 s5, $0x1;
	s5 =	sadd.s32 s21, s3  }
0xa3: {  	[timem:s7], [sflag:s22] =	dma.local [hbm:s5], s20  }
0xa4: {  	_ =	swait.ge [sflag:s22], s20  }
0xa5: {  	s4 =	ssub.s32 $0x0, s20;
	[sflag:s22] =	ssyncset.done $0x0  }
0xa6: {  	[sflag:s22] =	ssyncadd.s32 s4;
	_ =	sdelay $0x1  }
0xa7: {  	s23 =	simm.s32 $0x1B8B  }
0xa8: {  	_ =	swait.ge [sflag:s23], $0x1  }
0xa9: {  	[sflag:s23] =	ssyncset.done $0x0  }
0xaa: {  	s25 =	simm.s32 $0x1B8E;
	s24 =	sld [smem:$0x3FFE];
	[sflag:s23] =	ssyncadd.s32 $0xFFFFFFFF  }
0xab: {  	s26 =	simm.s32 $execute0_lowered;
	[smem:$0x3FD2] =	sst s25  }
0xac: {  	s5 =	sshll.u32 s26, $0x1;
	_ =	strace $0x80000046;
	[dreg:$0x1] =	wrdreg $0xFFFFFFFF  }
0xad: {  	s28 =	simm.s32 $_size_execute0_lowered;
	s3 =	sadd.s32 s3, s5;
	[dreg:$0x0] =	wrdreg $0x0  }
0xae: {  	s5 =	sshll.u32 s28, $0x1;
	[dreg:$0x2] =	wrdreg s3  }
0xaf: {  	[dreg:$0x3] =	wrdreg s5  }
0xb0: {  	[dreg:$0x4] =	wrdreg $0xC0  }
0xb1: {  	_ =	task [dreg:s7], $0x5FFFF  }
0xb2: {  	[dreg:$0x1] =	wrdreg $0xFFFFFFFF  }
0xb3: {  	[dreg:$0x0] =	wrdreg $0x60  }
0xb4: {  	[dreg:$0x2] =	wrdreg s16  }
0xb5: {  	[dreg:$0x3] =	wrdreg s24  }
0xb6: {  	[dreg:$0x4] =	wrdreg $0x9  }
0xb7: {  	_ =	task.clear_ibuf [dreg:s7], $0x5FFFF;
	_ =	strace $0x90000046  }
0xb8: {  	s29 =	simm.s32 $0x9;
	_ =	strace $0x80000048  }
0xb9: {  	_ =	swait.ge [sflag:s29], $0x1  }
0xba: {  	[sflag:s29] =	ssyncadd.s32 $0xFFFFFFFF  }
0xbb: {  	_ =	strace $0x90000048  }
0xbc: {  	_ =	sfence  }
0xbd: {  	s30 =	sld [smem:$0x0];
	_ =	sdelay $0x2  }
0xbe: {  	s31 =	sshll.u32 s1, $0xD;
	s1 =	sshrl.u32 s1, $0x2  }
0xbf: {  	s3 =	sand.u32 $0x4000, s31;
	s1 =	sadd.s32 s1, s30  }
0xc0: {  	s0 =	sor.u32 s3, s0;
	s1 =	sshll.u32 s1, $0x11  }
0xc1: {  	s0 =	sor.u32 s1, s0  }
0xc2: {  	s0 =	sadd.s32 $0x8F2B, s0  }
0xc3: {  	[sflag:s0] =	ssyncadd.remote.s32 $0x1  }
0xc4: {  	_ =	sfence.sel $0xFFFF  }
0xc5: {  	[dreg:$0x0] =	wrdreg $0xFFFFFFFF;
	(pc) =	sbr.abs _section_cstart, $3  }
0xc6: {  	[dreg:$0x1] =	wrdreg $0xFFFFFFFF  }
0xc7: {  	_ =	task.clear_ibuf [dreg:s7], $0x2FFFF;
	_ =	strace $0x9FFFFFFF  }
0xc8: {  	(tm) =	ssettm $0x7FFFFFFF  }
0xc9: {  	_ =	shalt  }
tec
execute0_lowered:
.L_overlay_start_1:
0x0: {  	(tag) =	ssettag $0x1  }
0x1: {  	s1 =	srdreg.scid;
	s0 =	stileid.u32  }
0x2: {  	s11 =	sand.u32 $0x1, s1;
	s31 =	sshll.u32 s0, $0x1  }
0x3: {  	s2 =	rddreg [dreg:$0x0];
	s12 =	sor.u32 s11, s31  }
0x4: {  	s10 =	rddreg [dreg:$0x1];
	s3 =	simm.s32 $0x0;
	s4 =	sshll.u32 s12, $0x5  }
0x5: {  	s5 =	simm.s32 $0x3;
	[smem:$0x7FF] =	sst s3;
	s4 =	sadd.s32 s4, s10  }
0x6: {  	s1 =	rddreg [dreg:$0x2];
	_ =	strace $0x80000047;
	s4 =	sadd.s32 $0x600, s4  }
0x7: {  	[tilespmem:s3], [sflag:$0x3] =	stream.linear.gather [hbm4b:s4+s3], $0x100, $0x38;
	[tilespmem:$0x2100] =	vst v63  }
0x8: {  	_ =	swait.ge [sflag:s5], $0x100  }
0x9: {  	[sflag:s5] =	ssyncset.done $0x0  }
0xa: {  	s6 =	simm.s32 $0x80;
	s7 =	simm.s32 $0x100;
	[sflag:s5] =	ssyncadd.s32 $0xFFFFFF00  }
0xb: {  	[tilespmem:s7], [sflag:$0x1] =	stream.indirect.gather [hbm4b:s2+s6], $0x20, s3, s6, $0xb8;
	[tilespmem:$0x2100] =	vst v63  }
0xc: {  	s8 =	simm.s32 $0x1100;
	s9 =	simm.s32 $0x1  }
0xd: {  	[tilespmem:s8], [sflag:$0x1] =	stream.indirect.gather [hbm4b:s2+s6], $0x20, s6, s6, $0xb8;
	[tilespmem:$0x2100] =	vst v63  }
0xe: {  	s12 =	sshll.u32 s12, $0xA;
	_ =	swait.ge [sflag:s9], $0x1000  }
0xf: {  	s13 =	ssub.s32 $0x2, s11;
	s12 =	sadd.s32 s12, s10;
	[sflag:s9] =	ssyncset.done $0x0  }
0x10: {  	s14 =	sshrl.u32 s13, $0x1;
	s10 =	sadd.s32 $0xA00, s12;
	[sflag:s9] =	ssyncadd.s32 $0xFFFFF000  }
0x11: {  	[hbm4b:s10+s3] =	stream.linear.scatter [tilespmem:s7], [sflag:$0x2], $0x1000, $0x38;
	[tilespmem:$0x2100] =	vst v63  }
0x12: {  	s13 =	ssub.s32 s13, s14;
	_ =	swait.ge [sflag:s9], $0x1000  }
0x13: {  	s11 =	simm.s32 $0x2;
	s13 =	smax.u32 s13, $0x1;
	[sflag:s9] =	ssyncset.done $0x0  }
0x14: {  	s12 =	sadd.s32 $0xC00, s12;
	p0 =	sne.s32 s13, $0x1;
	[sflag:s9] =	ssyncadd.s32 $0xFFFFF000  }
0x15: {  	[hbm4b:s12+s3] =	stream.linear.scatter [tilespmem:s8], [sflag:$0x2], $0x1000, $0x38;
	[tilespmem:$0x2100] =	vst v63  }
.Ltmp0:
0x16: {  	_ =	swait.ge [sflag:s11], $0x1000;
	(pc) =	sbr.rel @!p0 .LBB2_2-.Ltmp0, $4  }
0x17: {  	[sflag:s11] =	ssyncset.done $0x0  }
0x18: {  	[sflag:s11] =	ssyncadd.s32 $0xFFFFF000  }
0x19: {  	_ =	swait.ge [sflag:s11], $0x1000  }
0x1a: {  	s13 =	sadd.s32 $0xFFFFFFFF, s13;
	[sflag:s11] =	ssyncset.done $0x0  }
.LBB2_1:
0x1b: {  	p0 =	sne.s32 s13, $0x1;
	s13 =	sadd.s32 $0xFFFFFFFF, s13;
	[sflag:s11] =	ssyncadd.s32 $0xFFFFF000  }
0x1c: {  	[tilespmem:s3], [sflag:$0x3] =	stream.linear.gather [hbm4b:s4+s3], $0x100, $0x38;
	[tilespmem:$0x2100] =	vst v63  }
0x1d: {  	_ =	swait.ge [sflag:s5], $0x100  }
0x1e: {  	[sflag:s5] =	ssyncset.done $0x0  }
0x1f: {  	[sflag:s5] =	ssyncadd.s32 $0xFFFFFF00  }
0x20: {  	[tilespmem:s7], [sflag:$0x1] =	stream.indirect.gather [hbm4b:s2+s6], $0x20, s3, s6, $0xb8;
	[tilespmem:$0x2100] =	vst v63  }
0x21: {  	_ = 	snop  }
0x22: {  	[tilespmem:s8], [sflag:$0x1] =	stream.indirect.gather [hbm4b:s2+s6], $0x20, s6, s6, $0xb8;
	[tilespmem:$0x2100] =	vst v63  }
0x23: {  	_ =	swait.ge [sflag:s9], $0x1000  }
0x24: {  	[sflag:s9] =	ssyncset.done $0x0  }
0x25: {  	[sflag:s9] =	ssyncadd.s32 $0xFFFFF000  }
0x26: {  	[hbm4b:s10+s3] =	stream.linear.scatter [tilespmem:s7], [sflag:$0x2], $0x1000, $0x38;
	[tilespmem:$0x2100] =	vst v63  }
0x27: {  	_ =	swait.ge [sflag:s9], $0x1000  }
0x28: {  	[sflag:s9] =	ssyncset.done $0x0  }
0x29: {  	[sflag:s9] =	ssyncadd.s32 $0xFFFFF000  }
0x2a: {  	[hbm4b:s12+s3] =	stream.linear.scatter [tilespmem:s8], [sflag:$0x2], $0x1000, $0x38;
	[tilespmem:$0x2100] =	vst v63  }
.Ltmp1:
0x2b: {  	_ =	swait.ge [sflag:s11], $0x1000;
	(pc) =	sbr.rel @p0 .LBB2_1-.Ltmp1, $4  }
0x2c: {  	[sflag:s11] =	ssyncset.done $0x0  }
0x2d: {  	[sflag:s11] =	ssyncadd.s32 $0xFFFFF000  }
0x2e: {  	_ =	swait.ge [sflag:s11], $0x1000  }
0x2f: {  	[sflag:s11] =	ssyncset.done $0x0  }
.LBB2_2:
0x30: {  	[sflag:s11] =	ssyncadd.s32 $0xFFFFF000  }
0x31: {  	_ =	sfence.sel $0x180000  }
0x32: {  	[bflag:$0x0] =	sbarrier.arrive $0xFFFF  }
0x33: {  	p0 =	sne.s32 s0, $0x0;
	_ =	strace $0x90000047  }
0x34: {  	s0 =	sadd.s32 @!p0 $0x100000, s1;
	[bflag:$0x2] =	sbarrier.arrive $0xFFFF  }
0x35: {  	[sflag:s0] =	ssyncadd.tile.s32 @!p0 $0x1;
	_ =	shalt  }
.Lfunc_end2:
_tile_overlayer_lowered:
.L_overlay_start_2:
0x36: {  	(tag) =	ssettag $0x2  }
0x37: {  	s0 =	rddreg [dreg:$0x0];
	s2 =	stileid.u32  }
0x38: {  	s1 =	rddreg [dreg:$0x1];
	p0 =	sne.s32 s2, $0x0  }
0x39: {  	s3 =	rddreg [dreg:$0x2];
	[bflag:$0x3] =	sbarrier.arrive $0xFFFF;
	s2 =	simm.s32 @!p0 $0x1C03  }
0x3a: {  	[timem:s3], [sflag:s2] =	dma.local @!p0 [hbm:s0], s1  }
0x3b: {  	s0 =	simm.s32 @!p0 $0x3  }
0x3c: {  	_ =	swait.ge @!p0 [sflag:s0], s1  }
0x3d: {  	s1 =	ssub.s32 @!p0 $0x0, s1;
	[sflag:s0] =	ssyncset.done @!p0 $0x0  }
0x3e: {  	[sflag:s0] =	ssyncadd.s32 @!p0 s1  }
0x3f: {  	[bflag:$0x3] =	sbarrier.arrive $0xFFFF  }
0x40: {  	_ =	shalt  }

</sc_bundles>
